<compile_context>
chip_gen: v7x
topology: tpu7x:2x2x1
jax: 0.10.2.dev20260603
libtpu: 0.0.44.dev20260713+nightly
codegen_flags: <defaults>
</compile_context>

<pallas_src>
import functools

import jax
import jax.numpy as jnp
from jax import lax
from jax.experimental import pallas as pl
from jax.experimental.pallas import tpu as pltpu
from jax.experimental.pallas import tpu_sc as plsc

B = 16384
D = 32
V = 1000000
NC = 2
NS = 16
NW = NC * NS
BPW = B // NW
VBLK = 49152
VL = 16


def _tc_scores_body(ut_ref, it_ref, w_ref, b_ref, su_ref, si_ref):
    su_ref[...] = jnp.sum(ut_ref[...] * w_ref[0:D, :], axis=0) + b_ref[0]
    si_ref[...] = jnp.sum(it_ref[...] * w_ref[D:, :], axis=0)


def _tc_scores(ut_t, it_t, w_t, fc_b):
    grid = (V + VBLK - 1) // VBLK
    return pl.pallas_call(
        _tc_scores_body,
        grid=(grid,),
        in_specs=[
            pl.BlockSpec((D, VBLK), lambda i: (0, i)),
            pl.BlockSpec((D, VBLK), lambda i: (0, i)),
            pl.BlockSpec((2 * D, 1), lambda i: (0, 0)),
            pl.BlockSpec(memory_space=pltpu.SMEM),
        ],
        out_specs=(
            pl.BlockSpec((VBLK,), lambda i: (i,)),
            pl.BlockSpec((VBLK,), lambda i: (i,)),
        ),
        out_shape=(
            jax.ShapeDtypeStruct((V,), jnp.float32),
            jax.ShapeDtypeStruct((V,), jnp.float32),
        ),
    )(ut_t, it_t, w_t, fc_b)


def _sc_gather_head(user_ids, item_ids, score_u, score_i):
    mesh = plsc.VectorSubcoreMesh(core_axis_name="c", subcore_axis_name="s")

    @functools.partial(
        pl.kernel,
        mesh=mesh,
        out_type=jax.ShapeDtypeStruct((B,), jnp.float32),
        scratch_types=[
            pltpu.VMEM((BPW,), jnp.int32),
            pltpu.VMEM((BPW,), jnp.int32),
            pltpu.VMEM((BPW,), jnp.float32),
            pltpu.VMEM((BPW,), jnp.float32),
            pltpu.VMEM((BPW,), jnp.float32),
            pltpu.SemaphoreType.DMA,
            pltpu.SemaphoreType.DMA,
        ],
    )
    def k(uid_hbm, iid_hbm, su_hbm, si_hbm, o_hbm,
          uidx_v, iidx_v, su_v, si_v, o_v, sem_u, sem_i):
        wid = lax.axis_index("s") * NC + lax.axis_index("c")
        base = wid * BPW
        pltpu.sync_copy(uid_hbm.at[pl.ds(base, BPW)], uidx_v)
        pltpu.sync_copy(iid_hbm.at[pl.ds(base, BPW)], iidx_v)
        cu = pltpu.async_copy(su_hbm.at[uidx_v], su_v, sem_u)
        ci = pltpu.async_copy(si_hbm.at[iidx_v], si_v, sem_i)
        cu.wait()
        ci.wait()

        @pl.loop(0, BPW, step=VL)
        def _(j):
            t = su_v[pl.ds(j, VL)] + si_v[pl.ds(j, VL)]
            o_v[pl.ds(j, VL)] = 1.0 / (1.0 + jnp.exp(-t))

        pltpu.sync_copy(o_v, o_hbm.at[pl.ds(base, BPW)])

    return k(user_ids, item_ids, score_u, score_i)


def kernel(user_ids, item_ids, user_table, item_table, fc_w, fc_b):
    ut_t = user_table.T
    it_t = item_table.T
    score_u, score_i = _tc_scores(ut_t, it_t, fc_w.T, fc_b)
    out = _sc_gather_head(user_ids.astype(jnp.int32), item_ids.astype(jnp.int32),
                          score_u, score_i)
    return out.reshape(B, 1)

# --- scband reference (transcript-rebuilt; emitter-appended) ---
"""Pipeline reference for scband-idembedding-model-17102559773046 (READ-ONLY COPY).

The authoritative reference and input builder live on the scoring server;
editing this copy changes nothing except your own understanding.
"""

import jax, jax.numpy as jnp
import numpy as np

NUM_USERS = 1000000
NUM_ITEMS = 1000000
EMBED_DIM = 32
BATCH = 16384

def setup_inputs(seed: int = 0) -> dict:
    key = jax.random.key(seed)
    k1, k2, k3, k4, k5, k6 = jax.random.split(key, 6)
    user_ids = jax.random.randint(k1, (BATCH,), 0, NUM_USERS, dtype=jnp.int64 if jax.config.jax_enable_x64 else jnp.int32)
    item_ids = jax.random.randint(k2, (BATCH,), 0, NUM_ITEMS, dtype=jnp.int64 if jax.config.jax_enable_x64 else jnp.int32)
    user_table = jax.random.normal(k3, (NUM_USERS, EMBED_DIM), dtype=jnp.float32)
    item_table = jax.random.normal(k4, (NUM_ITEMS, EMBED_DIM), dtype=jnp.float32)
    # nn.Linear(embedding_dim*2, 1): weight [1, 2*D], bias [1]
    fc_w = jax.random.normal(k5, (1, 2 * EMBED_DIM), dtype=jnp.float32) * (1.0 / np.sqrt(2 * EMBED_DIM))
    fc_b = jax.random.normal(k6, (1,), dtype=jnp.float32) * 0.01
    return {"user_ids": user_ids, "item_ids": item_ids, "user_table": user_table, "item_table": item_table, "fc_w": fc_w, "fc_b": fc_b}

def reference(user_ids, item_ids, user_table, item_table, fc_w, fc_b):
    user_emb = jnp.take(user_table, user_ids, axis=0)   # [B, D]
    item_emb = jnp.take(item_table, item_ids, axis=0)   # [B, D]
    combined = jnp.concatenate([user_emb, item_emb], axis=1)  # [B, 2D]
    logits = combined @ fc_w.T + fc_b                    # [B, 1]
    return jax.nn.sigmoid(logits)

if __name__ == "__main__":
    import jax
    _d = setup_inputs()
    print(jax.jit(kernel)(*tuple(_d.values())))

</pallas_src>

<mosaic_0001>
#map = affine_map<(d0, d1) -> (0)>
module attributes {stable_mosaic.version = 14 : i64} {
  func.func @k(%arg0: i32, %arg1: i32, %arg2: memref<16384xi32, #tpu.memory_space<hbm>>, %arg3: memref<16384xi32, #tpu.memory_space<hbm>>, %arg4: memref<1000000xf32, #tpu.memory_space<hbm>>, %arg5: memref<1000000xf32, #tpu.memory_space<hbm>>, %arg6: memref<16384xf32, #tpu.memory_space<hbm>>, %arg7: memref<512xi32, #tpu.memory_space<vmem>>, %arg8: memref<512xi32, #tpu.memory_space<vmem>>, %arg9: memref<512xf32, #tpu.memory_space<vmem>>, %arg10: memref<512xf32, #tpu.memory_space<vmem>>, %arg11: memref<512xf32, #tpu.memory_space<vmem>>, %arg12: memref<!tpu.dma_semaphore, #tpu.memory_space<semaphore_mem>>, %arg13: memref<!tpu.dma_semaphore, #tpu.memory_space<semaphore_mem>>) attributes {dimension_semantics = [#tpu.dimension_semantics<core_parallel>, #tpu.dimension_semantics<subcore_parallel>], iteration_bounds = array<i64: 2, 16>, scalar_prefetch = 0 : i64, scratch_operands = 7 : i64, tpu.core_type = #tpu.core_type<sc_vector_subcore>, window_params = [{transform_indices = #map}, {transform_indices = #map}, {transform_indices = #map}, {transform_indices = #map}, {transform_indices = #map}]} {
    %mul3A = arith.constant 2 : i32
    %mul3A_0 = arith.muli %arg1, %mul3A : i32
    %add3A = arith.addi %mul3A_0, %arg0 : i32
    %mul3A_1 = arith.constant 512 : i32
    %mul3A_2 = arith.muli %add3A, %mul3A_1 : i32
    "tpu.region"() ({
      %run_scoped3A = tpu.sem_alloc : memref<!tpu.dma_semaphore, #tpu.memory_space<semaphore_mem>>
      %dma_start3A_13 = tpu.memref_slice %arg2[%mul3A_2] : memref<16384xi32, #tpu.memory_space<hbm>> -> memref<512xi32, #tpu.memory_space<hbm>>
      %dma_start3A_14 = tpu.memref_slice %arg2[%mul3A_2] : memref<16384xi32, #tpu.memory_space<hbm>> -> memref<512xi32, #tpu.memory_space<hbm>>
      tpu.enqueue_dma source(%dma_start3A_14 : memref<512xi32, #tpu.memory_space<hbm>>) target(%arg7 : memref<512xi32, #tpu.memory_space<vmem>>) target_semaphore(%run_scoped3A : memref<!tpu.dma_semaphore, #tpu.memory_space<semaphore_mem>>)
      %dma_wait3A_15 = tpu.memref_slice %arg2[%mul3A_2] : memref<16384xi32, #tpu.memory_space<hbm>> -> memref<512xi32, #tpu.memory_space<hbm>>
      %dma_wait3A_16 = tpu.memref_slice %arg2[%mul3A_2] : memref<16384xi32, #tpu.memory_space<hbm>> -> memref<512xi32, #tpu.memory_space<hbm>>
      tpu.wait_dma2 semaphore(%run_scoped3A : memref<!tpu.dma_semaphore, #tpu.memory_space<semaphore_mem>>) src(%dma_wait3A_16 : memref<512xi32, #tpu.memory_space<hbm>>) dst(%arg7 : memref<512xi32, #tpu.memory_space<vmem>>)
      tpu.yield
    }) : () -> ()
    "tpu.region"() ({
      %run_scoped3A = tpu.sem_alloc : memref<!tpu.dma_semaphore, #tpu.memory_space<semaphore_mem>>
      %dma_start3A_13 = tpu.memref_slice %arg3[%mul3A_2] : memref<16384xi32, #tpu.memory_space<hbm>> -> memref<512xi32, #tpu.memory_space<hbm>>
      %dma_start3A_14 = tpu.memref_slice %arg3[%mul3A_2] : memref<16384xi32, #tpu.memory_space<hbm>> -> memref<512xi32, #tpu.memory_space<hbm>>
      tpu.enqueue_dma source(%dma_start3A_14 : memref<512xi32, #tpu.memory_space<hbm>>) target(%arg8 : memref<512xi32, #tpu.memory_space<vmem>>) target_semaphore(%run_scoped3A : memref<!tpu.dma_semaphore, #tpu.memory_space<semaphore_mem>>)
      %dma_wait3A_15 = tpu.memref_slice %arg3[%mul3A_2] : memref<16384xi32, #tpu.memory_space<hbm>> -> memref<512xi32, #tpu.memory_space<hbm>>
      %dma_wait3A_16 = tpu.memref_slice %arg3[%mul3A_2] : memref<16384xi32, #tpu.memory_space<hbm>> -> memref<512xi32, #tpu.memory_space<hbm>>
      tpu.wait_dma2 semaphore(%run_scoped3A : memref<!tpu.dma_semaphore, #tpu.memory_space<semaphore_mem>>) src(%dma_wait3A_16 : memref<512xi32, #tpu.memory_space<hbm>>) dst(%arg8 : memref<512xi32, #tpu.memory_space<vmem>>)
      tpu.yield
    }) : () -> ()
    %dma_start3A = arith.constant 0 : i32
    %dma_start3A_3 = tpu.memref_slice %arg4[%dma_start3A] : memref<1000000xf32, #tpu.memory_space<hbm>> -> memref<1000000xf32, #tpu.memory_space<hbm>>
    tpu.enqueue_indirect_dma source(%dma_start3A_3 : memref<1000000xf32, #tpu.memory_space<hbm>>) target(%arg9 : memref<512xf32, #tpu.memory_space<vmem>>) offsets(%arg7 : memref<512xi32, #tpu.memory_space<vmem>>) semaphore(%arg12 : memref<!tpu.dma_semaphore, #tpu.memory_space<semaphore_mem>>)
    %dma_start3A_4 = arith.constant 0 : i32
    %dma_start3A_5 = tpu.memref_slice %arg5[%dma_start3A_4] : memref<1000000xf32, #tpu.memory_space<hbm>> -> memref<1000000xf32, #tpu.memory_space<hbm>>
    tpu.enqueue_indirect_dma source(%dma_start3A_5 : memref<1000000xf32, #tpu.memory_space<hbm>>) target(%arg10 : memref<512xf32, #tpu.memory_space<vmem>>) offsets(%arg8 : memref<512xi32, #tpu.memory_space<vmem>>) semaphore(%arg13 : memref<!tpu.dma_semaphore, #tpu.memory_space<semaphore_mem>>)
    %dma_wait3A = arith.constant 0 : i32
    %dma_wait3A_6 = tpu.memref_slice %arg4[%dma_wait3A] : memref<1000000xf32, #tpu.memory_space<hbm>> -> memref<1000000xf32, #tpu.memory_space<hbm>>
    tpu.wait_indirect_dma semaphore(%arg12 : memref<!tpu.dma_semaphore, #tpu.memory_space<semaphore_mem>>) src(%dma_wait3A_6 : memref<1000000xf32, #tpu.memory_space<hbm>>) dst(%arg9 : memref<512xf32, #tpu.memory_space<vmem>>)
    %dma_wait3A_7 = arith.constant 0 : i32
    %dma_wait3A_8 = tpu.memref_slice %arg5[%dma_wait3A_7] : memref<1000000xf32, #tpu.memory_space<hbm>> -> memref<1000000xf32, #tpu.memory_space<hbm>>
    tpu.wait_indirect_dma semaphore(%arg13 : memref<!tpu.dma_semaphore, #tpu.memory_space<semaphore_mem>>) src(%dma_wait3A_8 : memref<1000000xf32, #tpu.memory_space<hbm>>) dst(%arg10 : memref<512xf32, #tpu.memory_space<vmem>>)
    %scan3A = arith.constant 0 : i32
    %scan3A_9 = arith.constant 32 : i32
    %scan3A_10 = arith.addi %scan3A, %scan3A_9 : i32
    %scan3A_11 = arith.constant 1 : i32
    scf.for %scan3A_13 = %scan3A to %scan3A_10 step %scan3A_11  : i32 {
      %mul3A_14 = arith.constant 16 : i32
      %mul3A_15 = arith.muli %scan3A_13, %mul3A_14 : i32
      %add3A_16 = arith.constant 0 : i32
      %add3A_17 = arith.addi %add3A_16, %mul3A_15 : i32
      %get3A = arith.index_cast %add3A_17 : i32 to index
      %get3A_18 = tpu.vector_load %arg9[%get3A] {strides = array<i32>} : memref<512xf32, #tpu.memory_space<vmem>>, vector<16xf32>,
      %get3A_19 = vector.shape_cast %get3A_18 : vector<16xf32> to vector<16xf32>
      %get3A_20 = arith.index_cast %add3A_17 : i32 to index
      %get3A_21 = tpu.vector_load %arg10[%get3A_20] {strides = array<i32>} : memref<512xf32, #tpu.memory_space<vmem>>, vector<16xf32>,
      %get3A_22 = vector.shape_cast %get3A_21 : vector<16xf32> to vector<16xf32>
      %add3A_23 = arith.addf %get3A_19, %get3A_22 : vector<16xf32>
      %neg3A = arith.constant 0.000000e+00 : f32
      %neg3A_24 = vector.broadcast %neg3A : f32 to vector<16xf32>
      %neg3A_25 = arith.subf %neg3A_24, %add3A_23 : vector<16xf32>
      %exp3A = math.exp %neg3A_25 : vector<16xf32>
      %add3A_26 = arith.constant 1.000000e+00 : f32
      %add3A_27 = vector.broadcast %add3A_26 : f32 to vector<16xf32>
      %add3A_28 = arith.addf %add3A_27, %exp3A : vector<16xf32>
      %div3A = arith.constant 1.000000e+00 : f32
      %div3A_29 = vector.broadcast %div3A : f32 to vector<16xf32>
      %div3A_30 = arith.divf %div3A_29, %add3A_28 : vector<16xf32>
      %swap3A = arith.index_cast %add3A_17 : i32 to index
      %swap3A_31 = tpu.vector_load %arg11[%swap3A] {strides = array<i32>} : memref<512xf32, #tpu.memory_space<vmem>>, vector<16xf32>,
      %swap3A_32 = vector.shape_cast %swap3A_31 : vector<16xf32> to vector<16xf32>
      %swap3A_33 = vector.shape_cast %div3A_30 : vector<16xf32> to vector<16xf32>
      tpu.vector_store %arg11[%swap3A], %swap3A_33 {strides = array<i32>} : memref<512xf32, #tpu.memory_space<vmem>>, vector<16xf32>,
    }
    %scan3A_12 = arith.constant 32 : i32
    "tpu.region"() ({
      %run_scoped3A = tpu.sem_alloc : memref<!tpu.dma_semaphore, #tpu.memory_space<semaphore_mem>>
      %dma_start3A_13 = tpu.memref_slice %arg6[%mul3A_2] : memref<16384xf32, #tpu.memory_space<hbm>> -> memref<512xf32, #tpu.memory_space<hbm>>
      %dma_start3A_14 = tpu.memref_slice %arg6[%mul3A_2] : memref<16384xf32, #tpu.memory_space<hbm>> -> memref<512xf32, #tpu.memory_space<hbm>>
      tpu.enqueue_dma source(%arg11 : memref<512xf32, #tpu.memory_space<vmem>>) target(%dma_start3A_14 : memref<512xf32, #tpu.memory_space<hbm>>) target_semaphore(%run_scoped3A : memref<!tpu.dma_semaphore, #tpu.memory_space<semaphore_mem>>)
      %dma_wait3A_15 = tpu.memref_slice %arg6[%mul3A_2] : memref<16384xf32, #tpu.memory_space<hbm>> -> memref<512xf32, #tpu.memory_space<hbm>>
      %dma_wait3A_16 = tpu.memref_slice %arg6[%mul3A_2] : memref<16384xf32, #tpu.memory_space<hbm>> -> memref<512xf32, #tpu.memory_space<hbm>>
      tpu.wait_dma2 semaphore(%run_scoped3A : memref<!tpu.dma_semaphore, #tpu.memory_space<semaphore_mem>>) src(%arg11 : memref<512xf32, #tpu.memory_space<vmem>>) dst(%dma_wait3A_16 : memref<512xf32, #tpu.memory_space<hbm>>)
      tpu.yield
    }) : () -> ()
    return
  }
}

module attributes {stable_mosaic.version = 14 : i64} {
  func.func @_tc_scores_body(%arg0: i32, %arg1: memref<32x49152xf32, #tpu.memory_space<vmem>>, %arg2: memref<32x49152xf32, #tpu.memory_space<vmem>>, %arg3: memref<64x1xf32, #tpu.memory_space<vmem>>, %arg4: memref<1xf32, #tpu.memory_space<smem>>, %arg5: memref<49152xf32, #tpu.memory_space<vmem>>, %arg6: memref<49152xf32, #tpu.memory_space<vmem>>) attributes {dimension_semantics = [#tpu.dimension_semantics<arbitrary>], iteration_bounds = array<i64: 21>, scalar_prefetch = 0 : i64, scratch_operands = 0 : i64, tpu.core_type = #tpu.core_type<tc>, window_params = [{transform_indices = @transform_0, window_bounds = array<i64: 32, 49152>}, {transform_indices = @transform_1, window_bounds = array<i64: 32, 49152>}, {pipeline_mode = #tpu.pipeline_mode<synchronous>, transform_indices = @transform_2, window_bounds = array<i64: 64, 1>}, {transform_indices = @transform_3, window_bounds = array<i64: 1>}, {transform_indices = @transform_4, window_bounds = array<i64: 49152>}, {transform_indices = @transform_5, window_bounds = array<i64: 49152>}]} {
    %get3A = arith.constant 0 : index
    %get3A_0 = arith.constant 0 : index
    %get3A_1 = vector.load %arg1[%get3A, %get3A_0] : memref<32x49152xf32, #tpu.memory_space<vmem>>, vector<32x49152xf32>
    %get3A_2 = arith.constant 0 : index
    %get3A_3 = arith.constant 0 : index
    %get3A_4 = vector.load %arg3[%get3A_2, %get3A_3] : memref<64x1xf32, #tpu.memory_space<vmem>>, vector<32x1xf32>
    %mul3A = vector.broadcast %get3A_4 : vector<32x1xf32> to vector<32x49152xf32>
    %mul3A_5 = arith.mulf %get3A_1, %mul3A : vector<32x49152xf32>
    %reduce_sum3A = arith.constant dense<0.000000e+00> : vector<49152xf32>
    %reduce_sum3A_6 = vector.multi_reduction <add>, %mul3A_5, %reduce_sum3A [0] : vector<32x49152xf32> to vector<49152xf32>
    %get3A_7 = arith.constant 0 : index
    %get3A_8 = memref.load %arg4[%get3A_7] : memref<1xf32, #tpu.memory_space<smem>>
    %add3A = vector.broadcast %get3A_8 : f32 to vector<49152xf32>
    %add3A_9 = arith.addf %reduce_sum3A_6, %add3A : vector<49152xf32>
    %swap3A = arith.constant 0 : index
    %swap3A_10 = vector.load %arg5[%swap3A] : memref<49152xf32, #tpu.memory_space<vmem>>, vector<49152xf32>
    tpu.vector_store %arg5[%swap3A], %add3A_9 {strides = array<i32>} : memref<49152xf32, #tpu.memory_space<vmem>>, vector<49152xf32>,
    %get3A_11 = arith.constant 0 : index
    %get3A_12 = arith.constant 0 : index
    %get3A_13 = vector.load %arg2[%get3A_11, %get3A_12] : memref<32x49152xf32, #tpu.memory_space<vmem>>, vector<32x49152xf32>
    %get3A_14 = arith.constant 32 : index
    %get3A_15 = arith.constant 0 : index
    %get3A_16 = vector.load %arg3[%get3A_14, %get3A_15] : memref<64x1xf32, #tpu.memory_space<vmem>>, vector<32x1xf32>
    %mul3A_17 = vector.broadcast %get3A_16 : vector<32x1xf32> to vector<32x49152xf32>
    %mul3A_18 = arith.mulf %get3A_13, %mul3A_17 : vector<32x49152xf32>
    %reduce_sum3A_19 = arith.constant dense<0.000000e+00> : vector<49152xf32>
    %reduce_sum3A_20 = vector.multi_reduction <add>, %mul3A_18, %reduce_sum3A_19 [0] : vector<32x49152xf32> to vector<49152xf32>
    %swap3A_21 = arith.constant 0 : index
    %swap3A_22 = vector.load %arg6[%swap3A_21] : memref<49152xf32, #tpu.memory_space<vmem>>, vector<49152xf32>
    tpu.vector_store %arg6[%swap3A_21], %reduce_sum3A_20 {strides = array<i32>} : memref<49152xf32, #tpu.memory_space<vmem>>, vector<49152xf32>,
    return
  }
  func.func @transform_0(%arg0: i32) -> (i32, i32) {
    %c0_i32 = arith.constant 0 : i32
    %c0_i32_0 = arith.constant 0 : i32
    return %c0_i32, %arg0 : i32, i32
  }
  func.func @transform_1(%arg0: i32) -> (i32, i32) {
    %c0_i32 = arith.constant 0 : i32
    %c0_i32_0 = arith.constant 0 : i32
    return %c0_i32, %arg0 : i32, i32
  }
  func.func @transform_2(%arg0: i32) -> (i32, i32) {
    %c0_i32 = arith.constant 0 : i32
    %c0_i32_0 = arith.constant 0 : i32
    %c0_i32_1 = arith.constant 0 : i32
    return %c0_i32, %c0_i32_0 : i32, i32
  }
  func.func @transform_3(%arg0: i32) -> i32 {
    %c0_i32 = arith.constant 0 : i32
    %c0_i32_0 = arith.constant 0 : i32
    return %c0_i32 : i32
  }
  func.func @transform_4(%arg0: i32) -> i32 {
    %c0_i32 = arith.constant 0 : i32
    return %arg0 : i32
  }
  func.func @transform_5(%arg0: i32) -> i32 {
    %c0_i32 = arith.constant 0 : i32
    return %arg0 : i32
  }
}

</mosaic_0001>

<sc_bundles>
// kernel: kernel.4.cloned.1.call-start
scs
__scs_entry_jumppad:
0x0: {  	(pc) =	sbr.rel $0x88, $3  }
0x1: {  	(tag) =	ssettag $0x0;
	lr =	simm.s32 $0x1  }
0x2: {  	[smem:$0x3F9B] =	sst lr;
	_ =	strace $0xD0000000  }
0x3: {  	_ = 	snop  }
0x4: {  	_ = 	snop  }
0x5: {  	_ = 	snop  }
0x6: {  	_ = 	snop  }
0x7: {  	_ = 	snop  }
__scs_overlays_trampoline_lowered:
0x8: {  	[smem:$0x3FAA] =	sst s0  }
0x9: {  	[smem:$0x3FAB] =	sst s1  }
0xa: {  	[smem:$0x3FAC] =	sst s2  }
0xb: {  	[smem:$0x3FAD] =	sst s3  }
0xc: {  	[smem:$0x3FAE] =	sst s4  }
0xd: {  	[smem:$0x3FAF] =	sst s5  }
0xe: {  	[smem:$0x3FB0] =	sst s6  }
0xf: {  	[smem:$0x3FB1] =	sst s7  }
0x10: {  	[smem:$0x3FB2] =	sst s8  }
0x11: {  	[smem:$0x3FB3] =	sst s9;
	s0 =	simm.s32 @!p0 $0x0  }
0x12: {  	s1 =	sld [smem:$0x3F99];
	s0 =	simm.s32 @p0 $0x1  }
0x13: {  	[smem:$0x3FB4] =	sst s0;
	s0 =	simm.s32 @!p1 $0x0  }
0x14: {  	s2 =	sld [smem:$0x3F98];
	s0 =	simm.s32 @p1 $0x1  }
0x15: {  	[smem:$0x3FB5] =	sst s0;
	s0 =	simm.s32 @!p2 $0x0  }
0x16: {  	s3 =	sld [smem:$0x3FDB];
	s0 =	simm.s32 @p2 $0x1  }
0x17: {  	s4 =	simm.s32 $0x1BF5;
	[smem:$0x3FB7] =	sst s0  }
0x18: {  	s0 =	sld [smem:$0x3F9A];
	_ =	swait.ge [sflag:s4], $0x0  }
0x19: {  	s7 =	sld [smem:$0x3F9B]  }
0x1a: {  	s8 =	sadd.s32 $0xFFFFE003, lr  }
0x1b: {  	s9 =	sadd.s32 $0xFFFFFEF7, lr;
	s5 =	simm.s32 $0xFFFFFFFF;
	p2 =	slt.u32 s8, $0xFFFFF086  }
0x1c: {  	p1 =	slt.u32 s9, $0xF7A;
	s5 =	simm.s32 @!p2 $0x0  }
0x1d: {  	s5 =	simm.s32 @p1 $0x1;
	p0 =	seq.s32 s7, s2  }
0x1e: {  	s7 =	smul.u32 @!p0 $0xF7A, s2;
	p2 =	seq.s32 @!p0 s5, $0x0  }
0x1f: {  	s9 =	smul.u32 $0xF7A, s1;
	s8 =	simm.s32 @!p0 $0x1BF5;
	p2 =	por !p2, p0  }
0x20: {  	[sflag:s8] =	ssyncset.s32 @!p0 $0xFFFFF086;
	s6 =	sadd.s32 @!p0 s3, s7;
	s7 =	simm.s32 @!p0 $0x108  }
0x21: {  	s3 =	sadd.s32 s3, s9;
	s6 =	sadd.s32 @!p0 $0x88, s6;
	s7 =	simm.s32 @p2 $0x1082  }
0x22: {  	[simem:s7], [sflag:s8] =	dma.local @!p0 [hbm:s6], $0xF7A  }
0x23: {  	s9 =	sor.u32 $0xD0000000, s2;
	s6 =	simm.s32 $0x108;
	_ =	swait.ge @!p0 [sflag:s8], $0x0  }
0x24: {  	s3 =	sadd.s32 $0x88, s3;
	s6 =	simm.s32 @!p1 $0x1082;
	[sflag:s4] =	ssyncset.s32 $0xFFFFF086  }
0x25: {  	[simem:s6], [sflag:s4] =	dma.local [hbm:s3], $0xF7A  }
0x26: {  	[smem:$0x3F9B] =	sst s1;
	(tag) =	ssettag s2;
	_ =	strace s9  }
0x27: {  	s1 =	sld [smem:$0x3FAB]  }
0x28: {  	s2 =	sld [smem:$0x3FAC]  }
0x29: {  	s4 =	sld [smem:$0x3FAE]  }
0x2a: {  	p0 =	seq.s32 s5, $0x0;
	s5 =	sld [smem:$0x3FAF]  }
0x2b: {  	s6 =	sld [smem:$0x3FB0]  }
0x2c: {  	s7 =	sld [smem:$0x3FB1]  }
0x2d: {  	s3 =	simm.s32 $0x108;
	s8 =	sld [smem:$0x3FB2]  }
0x2e: {  	s3 =	simm.s32 @!p0 $0x1082;
	s9 =	sld [smem:$0x3FB3]  }
0x2f: {  	lr =	sadd.s32 s0, s3;
	s0 =	sld [smem:$0x3FAA]  }
0x30: {  	s3 =	sld [smem:$0x3FAD]  }
0x31: {  	[smem:$0x3FB6] =	sst s10  }
0x32: {  	s10 =	sld [smem:$0x3FB4];
	_ =	sdelay $0x3  }
0x33: {  	p0 =	seq.s32 s10, $0x1;
	s10 =	sld [smem:$0x3FB6];
	_ =	sdelay $0x3  }
0x34: {  	[smem:$0x3FB6] =	sst s10  }
0x35: {  	s10 =	sld [smem:$0x3FB5];
	_ =	sdelay $0x3  }
0x36: {  	p1 =	seq.s32 s10, $0x1;
	s10 =	sld [smem:$0x3FB6];
	_ =	sdelay $0x3  }
0x37: {  	[smem:$0x3FB6] =	sst s10  }
0x38: {  	s10 =	sld [smem:$0x3FB7]  }
0x39: {  	_ = 	snop;
	(pc) =	sbr.ind lr, $3  }
0x3a: {  	_ = 	snop  }
0x3b: {  	_ = 	snop  }
0x3c: {  	p2 =	seq.s32 s10, $0x1;
	s10 =	sld [smem:$0x3FB6]  }
0x3d: {  	_ =	shalt  }
0x3e: {  	_ =	shalt  }
0x3f: {  	_ =	shalt  }
0x40: {  	_ =	shalt  }
0x41: {  	_ =	shalt  }
0x42: {  	_ =	shalt  }
0x43: {  	_ =	shalt  }
0x44: {  	_ =	shalt  }
0x45: {  	_ =	shalt  }
0x46: {  	_ =	shalt  }
0x47: {  	_ =	shalt  }
0x48: {  	_ =	shalt  }
0x49: {  	_ =	shalt  }
0x4a: {  	_ =	shalt  }
0x4b: {  	_ =	shalt  }
0x4c: {  	_ =	shalt  }
0x4d: {  	_ =	shalt  }
0x4e: {  	_ =	shalt  }
0x4f: {  	_ =	shalt  }
0x50: {  	_ =	shalt  }
0x51: {  	_ =	shalt  }
0x52: {  	_ =	shalt  }
0x53: {  	_ =	shalt  }
0x54: {  	_ =	shalt  }
0x55: {  	_ =	shalt  }
0x56: {  	_ =	shalt  }
0x57: {  	_ =	shalt  }
0x58: {  	_ =	shalt  }
0x59: {  	_ =	shalt  }
0x5a: {  	_ =	shalt  }
0x5b: {  	_ =	shalt  }
0x5c: {  	_ =	shalt  }
0x5d: {  	_ =	shalt  }
0x5e: {  	_ =	shalt  }
0x5f: {  	_ =	shalt  }
0x60: {  	_ =	shalt  }
0x61: {  	_ =	shalt  }
0x62: {  	_ =	shalt  }
0x63: {  	_ =	shalt  }
0x64: {  	_ =	shalt  }
0x65: {  	_ =	shalt  }
0x66: {  	_ =	shalt  }
0x67: {  	_ =	shalt  }
0x68: {  	_ =	shalt  }
0x69: {  	_ =	shalt  }
0x6a: {  	_ =	shalt  }
0x6b: {  	_ =	shalt  }
0x6c: {  	_ =	shalt  }
0x6d: {  	_ =	shalt  }
0x6e: {  	_ =	shalt  }
0x6f: {  	_ =	shalt  }
0x70: {  	_ =	shalt  }
0x71: {  	_ =	shalt  }
0x72: {  	_ =	shalt  }
0x73: {  	_ =	shalt  }
0x74: {  	_ =	shalt  }
0x75: {  	_ =	shalt  }
0x76: {  	_ =	shalt  }
0x77: {  	_ =	shalt  }
0x78: {  	_ =	shalt  }
0x79: {  	_ =	shalt  }
0x7a: {  	_ =	shalt  }
0x7b: {  	_ =	shalt  }
0x7c: {  	_ =	shalt  }
0x7d: {  	_ =	shalt  }
0x7e: {  	_ =	shalt  }
0x7f: {  	_ =	shalt  }
0x80: {  	_ =	shalt  }
0x81: {  	_ =	shalt  }
0x82: {  	_ =	shalt  }
0x83: {  	_ =	shalt  }
0x84: {  	_ =	shalt  }
0x85: {  	_ =	shalt  }
0x86: {  	_ =	shalt  }
0x87: {  	_ =	shalt  }
.Lfunc_end0:
.L_simem_size_0:
called_computation_lowered:
.L_overlay_start_0:
0x88: {  	s2 =	sld [smem:$0x3FD9]  }
0x89: {  	s3 =	sld [smem:$0x3FFE];
	_ =	sdelay $0x1  }
0x8a: {  	s1 =	srdreg.scid  }
0x8b: {  	s0 =	sand.u32 $0x1, s1  }
0x8c: {  	s17 =	sshll.u32 s0, $0xA;
	s2 =	sadd.s32 s3, s2  }
0x8d: {  	s2 =	sadd.s32 s2, s17  }
0x8e: {  	[smem:$0x3FC2] =	sst s2  }
0x8f: {  	_ = 	snop  }
0x90: {  	s2 =	sld [smem:$0x3FC9]  }
0x91: {  	s18 =	sld [smem:$0x3FC8]  }
0x92: {  	s4 =	sld [smem:$0x3FD0];
	(tm) =	ssettm $0x1  }
0x93: {  	s5 =	sld [smem:$0x3FFB];
	_ =	sdelay $0x3  }
0x94: {  	_ =	strace s5  }
0x95: {  	s5 =	sld [smem:$0x3FFC];
	_ =	sdelay $0x3  }
0x96: {  	_ =	strace s5  }
0x97: {  	s5 =	sld [smem:$0x3FFD];
	_ =	sdelay $0x3  }
0x98: {  	_ =	strace s5  }
0x99: {  	_ =	strace $0x8FFFFFFF  }
0x9a: {  	s19 =	sld [smem:$0x3FDB];
	_ =	sdelay $0x1  }
0x9b: {  	s6 =	simm.s32 $_scs_section_size  }
0x9c: {  	s7 =	simm.s32 $_size__tile_overlayer_lowered;
	s8 =	simm.s32 $_tile_overlayer_lowered  }
0x9d: {  	s22 =	simm.s32 $0x1BFF;
	s21 =	sshll.u32 s8, $0x1;
	s5 =	sadd.s32 s6, s19  }
0x9e: {  	s9 =	simm.s32 $0x0;
	s20 =	sshll.u32 s7, $0x1;
	s7 =	sadd.s32 s21, s5  }
0x9f: {  	[timem:s9], [sflag:s22] =	dma.local [hbm:s7], s20  }
0xa0: {  	_ =	swait.ge [sflag:s22], s20  }
0xa1: {  	s6 =	ssub.s32 $0x0, s20;
	[sflag:s22] =	ssyncset.done $0x0  }
0xa2: {  	[sflag:s22] =	ssyncadd.s32 s6;
	_ =	sdelay $0x1  }
0xa3: {  	s23 =	simm.s32 $0x1B8B  }
0xa4: {  	_ =	swait.ge [sflag:s23], $0x1  }
0xa5: {  	[sflag:s23] =	ssyncset.done $0x0  }
0xa6: {  	s25 =	simm.s32 $0x1B8E;
	s24 =	sld [smem:$0x3FFE];
	[sflag:s23] =	ssyncadd.s32 $0xFFFFFFFF  }
0xa7: {  	s26 =	simm.s32 $execute0_lowered;
	[smem:$0x3FD2] =	sst s25  }
0xa8: {  	s7 =	sshll.u32 s26, $0x1;
	_ =	strace $0x80000046;
	[dreg:$0x1] =	wrdreg $0xFFFFFFFF  }
0xa9: {  	s28 =	simm.s32 $_size_execute0_lowered;
	s5 =	sadd.s32 s5, s7;
	[dreg:$0x0] =	wrdreg $0x0  }
0xaa: {  	s7 =	sshll.u32 s28, $0x1;
	[dreg:$0x2] =	wrdreg s5  }
0xab: {  	[dreg:$0x3] =	wrdreg s7  }
0xac: {  	[dreg:$0x4] =	wrdreg $0xC0  }
0xad: {  	_ =	task [dreg:s9], $0x5FFFF  }
0xae: {  	[dreg:$0x1] =	wrdreg $0xFFFFFFFF  }
0xaf: {  	[dreg:$0x0] =	wrdreg $0x60  }
0xb0: {  	[dreg:$0x2] =	wrdreg s2  }
0xb1: {  	[dreg:$0x3] =	wrdreg s18  }
0xb2: {  	[dreg:$0x4] =	wrdreg s24  }
0xb3: {  	[dreg:$0x5] =	wrdreg s4  }
0xb4: {  	[dreg:$0x6] =	wrdreg $0x9  }
0xb5: {  	_ =	task.clear_ibuf [dreg:s9], $0x7FFFF;
	_ =	strace $0x90000046  }
0xb6: {  	s29 =	simm.s32 $0x9;
	_ =	strace $0x80000048  }
0xb7: {  	_ =	swait.ge [sflag:s29], $0x1  }
0xb8: {  	[sflag:s29] =	ssyncadd.s32 $0xFFFFFFFF  }
0xb9: {  	_ =	strace $0x90000048  }
0xba: {  	_ =	sfence  }
0xbb: {  	s30 =	sld [smem:$0x0];
	_ =	sdelay $0x2  }
0xbc: {  	s31 =	sshll.u32 s1, $0xD;
	s1 =	sshrl.u32 s1, $0x2  }
0xbd: {  	s3 =	sand.u32 $0x4000, s31;
	s1 =	sadd.s32 s1, s30  }
0xbe: {  	s0 =	sor.u32 s3, s0;
	s1 =	sshll.u32 s1, $0x11  }
0xbf: {  	s0 =	sor.u32 s1, s0  }
0xc0: {  	s0 =	sadd.s32 $0x8F2B, s0  }
0xc1: {  	[sflag:s0] =	ssyncadd.remote.s32 $0x1  }
0xc2: {  	_ =	sfence.sel $0xFFFF  }
0xc3: {  	[dreg:$0x0] =	wrdreg $0xFFFFFFFF;
	(pc) =	sbr.abs _section_cstart, $3  }
0xc4: {  	[dreg:$0x1] =	wrdreg $0xFFFFFFFF  }
0xc5: {  	_ =	task.clear_ibuf [dreg:s9], $0x2FFFF;
	_ =	strace $0x9FFFFFFF  }
0xc6: {  	(tm) =	ssettm $0x7FFFFFFF  }
0xc7: {  	_ =	shalt  }
tec
execute0_lowered:
.L_overlay_start_1:
0x0: {  	(tag) =	ssettag $0x1  }
0x1: {  	s5 =	rddreg [dreg:$0x0]  }
0x2: {  	s6 =	rddreg [dreg:$0x1]  }
0x3: {  	s4 =	rddreg [dreg:$0x2]  }
0x4: {  	s7 =	rddreg [dreg:$0x3]  }
0x5: {  	s0 =	rddreg [dreg:$0x4];
	s1 =	simm.s32 $0x0;
	s2 =	srdreg.scid  }
0x6: {  	s12 =	simm.s32 $0x600;
	s13 =	simm.s32 $0x1;
	s14 =	simm.s32 $0x2  }
0x7: {  	s15 =	simm.s32 $0x800;
	s16 =	simm.s32 $0x0;
	[smem:$0x7FF] =	sst s1  }
0x8: {  	s8 =	sand.u32 $0x1, s2;
	s3 =	sadd.s32 $0xA00, s4;
	s2 =	stileid.u32  }
0x9: {  	s4 =	sadd.s32 $0x1F400, s4;
	_ =	strace $0x80000047;
	s9 =	ssub.s32 $0x2, s8  }
0xa: {  	s11 =	sshll.u32 s2, $0x7;
	s8 =	sshll.u32 s8, $0x6;
	s10 =	sshrl.u32 s9, $0x1  }
0xb: {  	s8 =	sor.u32 s8, s11;
	s11 =	simm.s32 $0x400;
	s9 =	ssub.s32 s9, s10  }
0xc: {  	s5 =	sadd.s32 s5, s8;
	s6 =	sadd.s32 s6, s8;
	s7 =	sadd.s32 s7, s8  }
0xd: {  	s10 =	simm.s32 $0x200;
	s8 =	smax.u32 s9, $0x1;
	s9 =	simm.s32 $0x3  }
.LBB2_1:
0xe: {  	[tilespmem:s1], [sflag:$0x3] =	stream.linear.gather [hbm4b:s5+s1], $0x200, $0x38;
	[tilespmem:$0xA00] =	vst v63  }
0xf: {  	_ =	swait.ge [sflag:s9], $0x200  }
0x10: {  	[sflag:s9] =	ssyncset.done $0x0  }
0x11: {  	[sflag:s9] =	ssyncadd.s32 $0xFFFFFE00  }
0x12: {  	[tilespmem:s10], [sflag:$0x3] =	stream.linear.gather [hbm4b:s6+s1], $0x200, $0x38;
	[tilespmem:$0xA00] =	vst v63  }
0x13: {  	_ =	swait.ge [sflag:s9], $0x200  }
0x14: {  	[sflag:s9] =	ssyncset.done $0x0  }
0x15: {  	[sflag:s9] =	ssyncadd.s32 $0xFFFFFE00  }
0x16: {  	[tilespmem:s11], [sflag:$0x1] =	stream.indirect.gather [hbm4b:s3+s10], $0x1, s1, s10, $0xb8;
	[tilespmem:$0xA00] =	vst v63  }
0x17: {  	_ = 	snop  }
0x18: {  	[tilespmem:s12], [sflag:$0x2] =	stream.indirect.gather [hbm4b:s4+s10], $0x1, s10, s10, $0xb8;
	[tilespmem:$0xA00] =	vst v63  }
0x19: {  	_ =	swait.ge [sflag:s13], $0x200  }
0x1a: {  	[sflag:s13] =	ssyncset.done $0x0  }
0x1b: {  	[sflag:s13] =	ssyncadd.s32 $0xFFFFFE00  }
0x1c: {  	_ =	swait.ge [sflag:s14], $0x200  }
0x1d: {  	[sflag:s14] =	ssyncset.done $0x0  }
0x1e: {  	s17 =	simm.s32 $0x0;
	[sflag:s14] =	ssyncadd.s32 $0xFFFFFE00  }
0x1f: {  	v0 =	vld [tilespmem:s17+$0x400]  }
0x20: {  	v1 =	vld [tilespmem:s17+$0x600];
	_ =	sdelay $0x4  }
0x21: {  	s18 =	simm.s32 $0x10;
	v0 =	vadd.f32 v1, v0  }
0x22: {  	v2 =	vld [tilespmem:s18+$0x600]  }
0x23: {  	v1 =	vld [tilespmem:s18+$0x400];
	v0 =	vsub.f32 $0.0e+00, v0;
	_ =	sdelay $0x1  }
0x24: {  	s19 =	simm.s32 $0x20;
	v0 =	vmul.f32 $1.442695020e+00, v0  }
0x25: {  	v3 =	vld [tilespmem:s19+$0x400]  }
0x26: {  	(erf) = vpow2.f32 v0;
	v0 =	vld [tilespmem:s19+$0x600]  }
0x27: {  	v1 =	vadd.f32 v2, v1;
	_ =	sdelay $0x1  }
0x28: {  	v1 =	vsub.f32 $0.0e+00, v1;
	_ =	sdelay $0x1  }
0x29: {  	s20 =	simm.s32 $0x30;
	v1 =	vmul.f32 $1.442695020e+00, v1;
	v0 =	vadd.f32 v0, v3  }
0x2a: {  	v2 =	vld [tilespmem:s20+$0x400]  }
0x2b: {  	(erf) = vpow2.f32 v1;
	v1 =	vld [tilespmem:s20+$0x600];
	v0 =	vsub.f32 $0.0e+00, v0;
	_ =	sdelay $0x1  }
0x2c: {  	v3 =	vpop (erf);
	v0 =	vmul.f32 $1.442695020e+00, v0  }
0x2d: {  	s21 =	simm.s32 $0x40;
	v3 =	vadd.f32 $1.000000000e+00, v3  }
0x2e: {  	v4 =	vld [tilespmem:s21+$0x400];
	(erf) = vpow2.f32 v0  }
0x2f: {  	v1 =	vadd.f32 v1, v2;
	v0 =	vld [tilespmem:s21+$0x600];
	(erf) = vrcp.f32 v3;
	_ =	sdelay $0x1  }
0x30: {  	v1 =	vsub.f32 $0.0e+00, v1;
	_ =	sdelay $0x1  }
0x31: {  	v2 =	vpop (erf);
	v1 =	vmul.f32 $1.442695020e+00, v1  }
0x32: {  	s22 =	simm.s32 $0x50;
	v2 =	vadd.f32 $1.000000000e+00, v2;
	v0 =	vadd.f32 v0, v4  }
0x33: {  	(erf) = vpow2.f32 v1;
	v1 =	vld [tilespmem:s22+$0x600]  }
0x34: {  	(erf) = vrcp.f32 v2;
	v3 =	vsub.f32 $0.0e+00, v0;
	v0 =	vld [tilespmem:s22+$0x400]  }
0x35: {  	v4 =	vpop (erf)  }
0x36: {  	s23 =	simm.s32 $0x180;
	v3 =	vmul.f32 $1.442695020e+00, v3;
	v2 =	vpop (erf)  }
.LBB2_2:
0x37: {  	s24 =	sshra.s32 s23, $0x2  }
0x38: {  	v4 =	vadd.f32 $1.000000000e+00, v4;
	[tilespmem:s17+$0x800] =	vst v2;
	s17 =	smov.u32 s18;
	s18 =	smov.u32 s19;
	p0 =	sne.s32 s23, $0x7C0  }
.Ltmp0:
0x39: {  	s19 =	smov.u32 s20;
	s20 =	smov.u32 s21;
	v2 =	vadd.f32 v1, v0;
	v0 =	vld [tilespmem:s24+$0x400];
	(erf) = vpow2.f32 v3;
	(pc) =	sbr.rel @p0 .LBB2_2-.Ltmp0, $4  }
0x3a: {  	s23 =	sadd.s32 $0x40, s23;
	s21 =	smov.u32 s22;
	v1 =	vld [tilespmem:s24+$0x600];
	(erf) = vrcp.f32 v4  }
0x3b: {  	s22 =	smov.u32 s24;
	v5 =	vsub.f32 $0.0e+00, v2  }
0x3c: {  	v4 =	vpop (erf)  }
0x3d: {  	v3 =	vmul.f32 $1.442695020e+00, v5;
	v2 =	vpop (erf)  }
0x3e: {  	_ = 	snop  }
0x3f: {  	v0 =	vadd.f32 v1, v0;
	_ =	sdelay $0x1  }
0x40: {  	v0 =	vsub.f32 $0.0e+00, v0  }
0x41: {  	v56 =	vadd.f32 $1.000000000e+00, v4  }
0x42: {  	(erf) = vpow2.f32 v3;
	v0 =	vmul.f32 $1.442695020e+00, v0  }
0x43: {  	(erf) = vrcp.f32 v56  }
0x44: {  	(erf) = vpow2.f32 v0;
	_ =	sdelay $0x4  }
0x45: {  	v57 =	vpop (erf)  }
0x46: {  	v58 =	vpop (erf)  }
0x47: {  	v3 =	vpop (erf)  }
0x48: {  	v0 =	vadd.f32 $1.000000000e+00, v57;
	v59 =	vpop (erf)  }
0x49: {  	v3 =	vadd.f32 $1.000000000e+00, v3;
	v5 =	vpop (erf)  }
0x4a: {  	(erf) = vrcp.f32 v0;
	v60 =	vadd.f32 $1.000000000e+00, v5  }
0x4b: {  	(erf) = vrcp.f32 v3  }
0x4c: {  	(erf) = vrcp.f32 v60;
	_ =	sdelay $0x4  }
0x4d: {  	[tilespmem:s17+$0x800] =	vst v2  }
0x4e: {  	[tilespmem:s18+$0x800] =	vst v58  }
0x4f: {  	[tilespmem:s19+$0x800] =	vst v59;
	v61 =	vpop (erf)  }
0x50: {  	s16 =	sadd.s32 $0x1, s16;
	[tilespmem:s20+$0x800] =	vst v61;
	v62 =	vpop (erf)  }
0x51: {  	p0 =	sne.s32 s16, s8;
	[tilespmem:s21+$0x800] =	vst v62;
	v63 =	vpop (erf)  }
.Ltmp1:
0x52: {  	[tilespmem:s22+$0x800] =	vst v63;
	(pc) =	sbr.rel @p0 .LBB2_1-.Ltmp1, $4  }
0x53: {  	[hbm4b:s7+s1] =	stream.linear.scatter [tilespmem:s15], [sflag:$0x3], $0x200, $0x38;
	[tilespmem:$0xA00] =	vst v63  }
0x54: {  	_ =	swait.ge [sflag:s9], $0x200  }
0x55: {  	[sflag:s9] =	ssyncset.done $0x0  }
0x56: {  	[sflag:s9] =	ssyncadd.s32 $0xFFFFFE00  }
0x57: {  	_ =	sfence.sel $0x180000  }
0x58: {  	[bflag:$0x0] =	sbarrier.arrive $0xFFFF  }
0x59: {  	p0 =	sne.s32 s2, $0x0;
	_ =	strace $0x90000047  }
0x5a: {  	s0 =	sadd.s32 @!p0 $0x100000, s0;
	[bflag:$0x2] =	sbarrier.arrive $0xFFFF  }
0x5b: {  	[sflag:s0] =	ssyncadd.tile.s32 @!p0 $0x1;
	_ =	shalt  }
.Lfunc_end2:
_tile_overlayer_lowered:
.L_overlay_start_2:
0x5c: {  	(tag) =	ssettag $0x2  }
0x5d: {  	s0 =	rddreg [dreg:$0x0];
	s2 =	stileid.u32  }
0x5e: {  	s1 =	rddreg [dreg:$0x1];
	p0 =	sne.s32 s2, $0x0  }
0x5f: {  	s3 =	rddreg [dreg:$0x2];
	[bflag:$0x3] =	sbarrier.arrive $0xFFFF;
	s2 =	simm.s32 @!p0 $0x1C03  }
0x60: {  	[timem:s3], [sflag:s2] =	dma.local @!p0 [hbm:s0], s1  }
0x61: {  	s0 =	simm.s32 @!p0 $0x3  }
0x62: {  	_ =	swait.ge @!p0 [sflag:s0], s1  }
0x63: {  	s1 =	ssub.s32 @!p0 $0x0, s1;
	[sflag:s0] =	ssyncset.done @!p0 $0x0  }
0x64: {  	[sflag:s0] =	ssyncadd.s32 @!p0 s1  }
0x65: {  	[bflag:$0x3] =	sbarrier.arrive $0xFFFF  }
0x66: {  	_ =	shalt  }

</sc_bundles>
